<compile_context>
chip_gen: v7x
topology: tpu7x:2x2x1
jax: 0.10.2.dev20260603
libtpu: 0.0.44.dev20260713+nightly
codegen_flags: <defaults>
</compile_context>

<pallas_src>
import functools

import jax
import jax.numpy as jnp
from jax import lax
from jax.experimental import pallas as pl
from jax.experimental.pallas import tpu as pltpu
from jax.experimental.pallas import tpu_sc as plsc

_L = 16
_NSUB = 16


def _tc_body(hs_ref, tg_ref, out_hs_ref, stats_ref):
    h = hs_ref[...]
    t = tg_ref[...]
    out_hs_ref[...] = h
    d = h - t
    stats_ref[0, 0, :] = jnp.sum(d * d, axis=1)
    stats_ref[0, 1, :] = jnp.sum(jnp.abs(h), axis=1)
    stats_ref[0, 2, :] = jnp.sum(t, axis=1)


def _tc_stage(hs, tg, rows_per_block=1024):
    n, d = hs.shape
    grid = (n // rows_per_block,)
    return pl.pallas_call(
        _tc_body,
        grid=grid,
        in_specs=[
            pl.BlockSpec((rows_per_block, d), lambda i: (i, 0)),
            pl.BlockSpec((rows_per_block, d), lambda i: (i, 0)),
        ],
        out_specs=[
            pl.BlockSpec((rows_per_block, d), lambda i: (i, 0)),
            pl.BlockSpec((1, 3, rows_per_block), lambda i: (i, 0, 0)),
        ],
        out_shape=[
            jax.ShapeDtypeStruct((n, d), jnp.float32),
            jax.ShapeDtypeStruct((n // rows_per_block, 3, rows_per_block),
                                 jnp.float32),
        ],
    )(hs, tg)


@functools.cache
def _make_sc_compact(n):
    rows_per_sub = n // _NSUB
    iters = rows_per_sub // _L
    mesh = plsc.VectorSubcoreMesh(
        core_axis_name="c", subcore_axis_name="s", num_cores=1)

    @functools.partial(
        pl.kernel,
        out_type=jax.ShapeDtypeStruct((_NSUB, 4 * _L), jnp.float32),
        mesh=mesh,
        scratch_types=[
            pltpu.VMEM((3 * rows_per_sub,), jnp.float32),
            pltpu.VMEM((4 * _L,), jnp.float32),
        ],
    )
    def sc_compact(stats_hbm, out_hbm, sl_v, part_v):
        zero = jnp.zeros((_L,), jnp.float32)
        one = jnp.ones((_L,), jnp.float32)
        sid = lax.axis_index("s")
        base = sid * 3 * rows_per_sub
        pltpu.sync_copy(stats_hbm.at[pl.ds(base, 3 * rows_per_sub)], sl_v)

        def body(i, carry):
            acc_sq, acc_ab, acc_ct = carry
            m = sl_v[pl.ds(2 * rows_per_sub + i * _L, _L)] != 0.0
            acc_sq = acc_sq + jnp.where(m, sl_v[pl.ds(i * _L, _L)], zero)
            acc_ab = acc_ab + jnp.where(
                m, sl_v[pl.ds(rows_per_sub + i * _L, _L)], zero)
            acc_ct = acc_ct + jnp.where(m, one, zero)
            return (acc_sq, acc_ab, acc_ct)

        acc_sq, acc_ab, acc_ct = lax.fori_loop(
            0, iters, body, (zero, zero, zero), unroll=4)
        part_v[pl.ds(0, _L)] = acc_sq
        part_v[pl.ds(_L, _L)] = acc_ab
        part_v[pl.ds(2 * _L, _L)] = acc_ct
        part_v[pl.ds(3 * _L, _L)] = zero
        pltpu.sync_copy(part_v, out_hbm.at[sid])

    return sc_compact


def kernel(hidden_states, targets):
    B, S, D = hidden_states.shape
    n = B * S
    hs = hidden_states.reshape(n, D)
    tg = targets.reshape(n, D)
    out_hs, stats = _tc_stage(hs, tg)
    parts = _make_sc_compact(n)(stats.reshape(3 * n))
    sq_tot = jnp.sum(parts[:, 0 * _L:1 * _L])
    ab_tot = jnp.sum(parts[:, 1 * _L:2 * _L])
    n_elems = jnp.sum(parts[:, 2 * _L:3 * _L]) * D
    return (sq_tot / n_elems, ab_tot / n_elems, out_hs.reshape(B, S, D))

# --- scband reference (transcript-rebuilt; emitter-appended) ---
"""Pipeline reference for scband-masked-recon-head-51831665328345 (READ-ONLY COPY).

The authoritative reference and input builder live on the scoring server;
editing this copy changes nothing except your own understanding.
"""

import jax, jax.numpy as jnp
import numpy as np


def setup_inputs(seed: int = 0) -> dict:
    key = jax.random.key(seed)
    k1, k2 = jax.random.split(key)
    hidden_states = jax.random.normal(k1, (4, 4096, 1024), dtype=jnp.float32)
    targets = jax.random.normal(k2, (4, 4096, 1024), dtype=jnp.float32)
    return {"hidden_states": hidden_states, "targets": targets}


def reference(hidden_states, targets):
    # Faithful translation of MaskedReconHead.forward with targets provided.
    B, S = hidden_states.shape[:2]
    hs = hidden_states.reshape((B * S,) + hidden_states.shape[2:])
    tg = targets.reshape((B * S,) + targets.shape[2:])
    mask = tg.sum(1) != 0
    D = hs.shape[1]
    n_elems = jnp.sum(mask).astype(hs.dtype) * D
    sq_err = jnp.where(mask[:, None], (hs - tg) ** 2, 0)
    # nn.MSELoss default reduction='mean'
    masked_recon_loss = jnp.sum(sq_err) / n_elems
    absval = jnp.where(mask[:, None], jnp.abs(hs), 0)
    mean_absval = jnp.sum(absval) / n_elems
    # original returns ((loss, metrics_dict), hidden_states); we return arrays
    return (masked_recon_loss, mean_absval, hidden_states)

if __name__ == "__main__":
    import jax
    _d = setup_inputs()
    print(jax.jit(kernel)(*tuple(_d.values())))

</pallas_src>

<mosaic_0001>
#map = affine_map<(d0, d1) -> (0)>
#map1 = affine_map<(d0, d1) -> (0, 0)>
module attributes {stable_mosaic.version = 14 : i64} {
  func.func @sc_compact(%arg0: i32, %arg1: i32, %arg2: memref<49152xf32, #tpu.memory_space<hbm>>, %arg3: memref<16x64xf32, #tpu.memory_space<hbm>>, %arg4: memref<3072xf32, #tpu.memory_space<vmem>>, %arg5: memref<64xf32, #tpu.memory_space<vmem>>) attributes {dimension_semantics = [#tpu.dimension_semantics<core_parallel>, #tpu.dimension_semantics<subcore_parallel>], iteration_bounds = array<i64: 1, 16>, scalar_prefetch = 0 : i64, scratch_operands = 2 : i64, tpu.core_type = #tpu.core_type<sc_vector_subcore>, window_params = [{transform_indices = #map}, {transform_indices = #map1}]} {
    %broadcast_in_dim3A = arith.constant 0.000000e+00 : f32
    %broadcast_in_dim3A_0 = vector.broadcast %broadcast_in_dim3A : f32 to vector<16xf32>
    %broadcast_in_dim3A_1 = arith.constant 1.000000e+00 : f32
    %broadcast_in_dim3A_2 = vector.broadcast %broadcast_in_dim3A_1 : f32 to vector<16xf32>
    %mul3A = arith.constant 3 : i32
    %mul3A_3 = arith.muli %arg1, %mul3A : i32
    %mul3A_4 = arith.constant 1024 : i32
    %mul3A_5 = arith.muli %mul3A_3, %mul3A_4 : i32
    "tpu.region"() ({
      %run_scoped3A = tpu.sem_alloc : memref<!tpu.dma_semaphore, #tpu.memory_space<semaphore_mem>>
      %dma_start3A = tpu.memref_slice %arg2[%mul3A_5] : memref<49152xf32, #tpu.memory_space<hbm>> -> memref<3072xf32, #tpu.memory_space<hbm>>
      %dma_start3A_26 = tpu.memref_slice %arg2[%mul3A_5] : memref<49152xf32, #tpu.memory_space<hbm>> -> memref<3072xf32, #tpu.memory_space<hbm>>
      tpu.enqueue_dma source(%dma_start3A_26 : memref<3072xf32, #tpu.memory_space<hbm>>) target(%arg4 : memref<3072xf32, #tpu.memory_space<vmem>>) target_semaphore(%run_scoped3A : memref<!tpu.dma_semaphore, #tpu.memory_space<semaphore_mem>>)
      %dma_wait3A = tpu.memref_slice %arg2[%mul3A_5] : memref<49152xf32, #tpu.memory_space<hbm>> -> memref<3072xf32, #tpu.memory_space<hbm>>
      %dma_wait3A_27 = tpu.memref_slice %arg2[%mul3A_5] : memref<49152xf32, #tpu.memory_space<hbm>> -> memref<3072xf32, #tpu.memory_space<hbm>>
      tpu.wait_dma2 semaphore(%run_scoped3A : memref<!tpu.dma_semaphore, #tpu.memory_space<semaphore_mem>>) src(%dma_wait3A_27 : memref<3072xf32, #tpu.memory_space<hbm>>) dst(%arg4 : memref<3072xf32, #tpu.memory_space<vmem>>)
      tpu.yield
    }) : () -> ()
    %scan3A = arith.constant 0 : i32
    %scan3A_6 = arith.constant 64 : i32
    %scan3A_7 = arith.addi %scan3A, %scan3A_6 : i32
    %scan3A_8 = arith.constant 4 : i32
    %scan3A_9:3 = scf.for %scan3A_26 = %scan3A to %scan3A_7 step %scan3A_8 iter_args(%scan3A_27 = %broadcast_in_dim3A_0, %scan3A_28 = %broadcast_in_dim3A_0, %scan3A_29 = %broadcast_in_dim3A_0) -> (vector<16xf32>, vector<16xf32>, vector<16xf32>)  : i32 {
      %mul3A_30 = arith.constant 16 : i32
      %mul3A_31 = arith.muli %scan3A_26, %mul3A_30 : i32
      %add3A = arith.constant 2048 : i32
      %add3A_32 = arith.addi %add3A, %mul3A_31 : i32
      %get3A = arith.index_cast %add3A_32 : i32 to index
      %get3A_33 = tpu.vector_load %arg4[%get3A] {strides = array<i32>} : memref<3072xf32, #tpu.memory_space<vmem>>, vector<16xf32>,
      %get3A_34 = vector.shape_cast %get3A_33 : vector<16xf32> to vector<16xf32>
      %ne3A = arith.constant 0.000000e+00 : f32
      %ne3A_35 = vector.broadcast %ne3A : f32 to vector<16xf32>
      %ne3A_36 = arith.cmpf one, %get3A_34, %ne3A_35 : vector<16xf32>
      %mul3A_37 = arith.constant 16 : i32
      %mul3A_38 = arith.muli %scan3A_26, %mul3A_37 : i32
      %get3A_39 = arith.index_cast %mul3A_38 : i32 to index
      %get3A_40 = tpu.vector_load %arg4[%get3A_39] {strides = array<i32>} : memref<3072xf32, #tpu.memory_space<vmem>>, vector<16xf32>,
      %get3A_41 = vector.shape_cast %get3A_40 : vector<16xf32> to vector<16xf32>
      %select_n3A = arith.select %ne3A_36, %get3A_41, %broadcast_in_dim3A_0 : vector<16xi1>, vector<16xf32>
      %add3A_42 = arith.addf %scan3A_27, %select_n3A : vector<16xf32>
      %mul3A_43 = arith.constant 16 : i32
      %mul3A_44 = arith.muli %scan3A_26, %mul3A_43 : i32
      %add3A_45 = arith.constant 1024 : i32
      %add3A_46 = arith.addi %add3A_45, %mul3A_44 : i32
      %get3A_47 = arith.index_cast %add3A_46 : i32 to index
      %get3A_48 = tpu.vector_load %arg4[%get3A_47] {strides = array<i32>} : memref<3072xf32, #tpu.memory_space<vmem>>, vector<16xf32>,
      %get3A_49 = vector.shape_cast %get3A_48 : vector<16xf32> to vector<16xf32>
      %select_n3A_50 = arith.select %ne3A_36, %get3A_49, %broadcast_in_dim3A_0 : vector<16xi1>, vector<16xf32>
      %add3A_51 = arith.addf %scan3A_28, %select_n3A_50 : vector<16xf32>
      %select_n3A_52 = arith.select %ne3A_36, %broadcast_in_dim3A_2, %broadcast_in_dim3A_0 : vector<16xi1>, vector<16xf32>
      %add3A_53 = arith.addf %scan3A_29, %select_n3A_52 : vector<16xf32>
      %scan3A_54 = arith.constant 1 : i32
      %scan3A_55 = arith.addi %scan3A_26, %scan3A_54 : i32
      %mul3A_56 = arith.constant 16 : i32
      %mul3A_57 = arith.muli %scan3A_55, %mul3A_56 : i32
      %add3A_58 = arith.constant 2048 : i32
      %add3A_59 = arith.addi %add3A_58, %mul3A_57 : i32
      %get3A_60 = arith.index_cast %add3A_59 : i32 to index
      %get3A_61 = tpu.vector_load %arg4[%get3A_60] {strides = array<i32>} : memref<3072xf32, #tpu.memory_space<vmem>>, vector<16xf32>,
      %get3A_62 = vector.shape_cast %get3A_61 : vector<16xf32> to vector<16xf32>
      %ne3A_63 = arith.constant 0.000000e+00 : f32
      %ne3A_64 = vector.broadcast %ne3A_63 : f32 to vector<16xf32>
      %ne3A_65 = arith.cmpf one, %get3A_62, %ne3A_64 : vector<16xf32>
      %mul3A_66 = arith.constant 16 : i32
      %mul3A_67 = arith.muli %scan3A_55, %mul3A_66 : i32
      %get3A_68 = arith.index_cast %mul3A_67 : i32 to index
      %get3A_69 = tpu.vector_load %arg4[%get3A_68] {strides = array<i32>} : memref<3072xf32, #tpu.memory_space<vmem>>, vector<16xf32>,
      %get3A_70 = vector.shape_cast %get3A_69 : vector<16xf32> to vector<16xf32>
      %select_n3A_71 = arith.select %ne3A_65, %get3A_70, %broadcast_in_dim3A_0 : vector<16xi1>, vector<16xf32>
      %add3A_72 = arith.addf %add3A_42, %select_n3A_71 : vector<16xf32>
      %mul3A_73 = arith.constant 16 : i32
      %mul3A_74 = arith.muli %scan3A_55, %mul3A_73 : i32
      %add3A_75 = arith.constant 1024 : i32
      %add3A_76 = arith.addi %add3A_75, %mul3A_74 : i32
      %get3A_77 = arith.index_cast %add3A_76 : i32 to index
      %get3A_78 = tpu.vector_load %arg4[%get3A_77] {strides = array<i32>} : memref<3072xf32, #tpu.memory_space<vmem>>, vector<16xf32>,
      %get3A_79 = vector.shape_cast %get3A_78 : vector<16xf32> to vector<16xf32>
      %select_n3A_80 = arith.select %ne3A_65, %get3A_79, %broadcast_in_dim3A_0 : vector<16xi1>, vector<16xf32>
      %add3A_81 = arith.addf %add3A_51, %select_n3A_80 : vector<16xf32>
      %select_n3A_82 = arith.select %ne3A_65, %broadcast_in_dim3A_2, %broadcast_in_dim3A_0 : vector<16xi1>, vector<16xf32>
      %add3A_83 = arith.addf %add3A_53, %select_n3A_82 : vector<16xf32>
      %scan3A_84 = arith.constant 2 : i32
      %scan3A_85 = arith.addi %scan3A_26, %scan3A_84 : i32
      %mul3A_86 = arith.constant 16 : i32
      %mul3A_87 = arith.muli %scan3A_85, %mul3A_86 : i32
      %add3A_88 = arith.constant 2048 : i32
      %add3A_89 = arith.addi %add3A_88, %mul3A_87 : i32
      %get3A_90 = arith.index_cast %add3A_89 : i32 to index
      %get3A_91 = tpu.vector_load %arg4[%get3A_90] {strides = array<i32>} : memref<3072xf32, #tpu.memory_space<vmem>>, vector<16xf32>,
      %get3A_92 = vector.shape_cast %get3A_91 : vector<16xf32> to vector<16xf32>
      %ne3A_93 = arith.constant 0.000000e+00 : f32
      %ne3A_94 = vector.broadcast %ne3A_93 : f32 to vector<16xf32>
      %ne3A_95 = arith.cmpf one, %get3A_92, %ne3A_94 : vector<16xf32>
      %mul3A_96 = arith.constant 16 : i32
      %mul3A_97 = arith.muli %scan3A_85, %mul3A_96 : i32
      %get3A_98 = arith.index_cast %mul3A_97 : i32 to index
      %get3A_99 = tpu.vector_load %arg4[%get3A_98] {strides = array<i32>} : memref<3072xf32, #tpu.memory_space<vmem>>, vector<16xf32>,
      %get3A_100 = vector.shape_cast %get3A_99 : vector<16xf32> to vector<16xf32>
      %select_n3A_101 = arith.select %ne3A_95, %get3A_100, %broadcast_in_dim3A_0 : vector<16xi1>, vector<16xf32>
      %add3A_102 = arith.addf %add3A_72, %select_n3A_101 : vector<16xf32>
      %mul3A_103 = arith.constant 16 : i32
      %mul3A_104 = arith.muli %scan3A_85, %mul3A_103 : i32
      %add3A_105 = arith.constant 1024 : i32
      %add3A_106 = arith.addi %add3A_105, %mul3A_104 : i32
      %get3A_107 = arith.index_cast %add3A_106 : i32 to index
      %get3A_108 = tpu.vector_load %arg4[%get3A_107] {strides = array<i32>} : memref<3072xf32, #tpu.memory_space<vmem>>, vector<16xf32>,
      %get3A_109 = vector.shape_cast %get3A_108 : vector<16xf32> to vector<16xf32>
      %select_n3A_110 = arith.select %ne3A_95, %get3A_109, %broadcast_in_dim3A_0 : vector<16xi1>, vector<16xf32>
      %add3A_111 = arith.addf %add3A_81, %select_n3A_110 : vector<16xf32>
      %select_n3A_112 = arith.select %ne3A_95, %broadcast_in_dim3A_2, %broadcast_in_dim3A_0 : vector<16xi1>, vector<16xf32>
      %add3A_113 = arith.addf %add3A_83, %select_n3A_112 : vector<16xf32>
      %scan3A_114 = arith.constant 3 : i32
      %scan3A_115 = arith.addi %scan3A_26, %scan3A_114 : i32
      %mul3A_116 = arith.constant 16 : i32
      %mul3A_117 = arith.muli %scan3A_115, %mul3A_116 : i32
      %add3A_118 = arith.constant 2048 : i32
      %add3A_119 = arith.addi %add3A_118, %mul3A_117 : i32
      %get3A_120 = arith.index_cast %add3A_119 : i32 to index
      %get3A_121 = tpu.vector_load %arg4[%get3A_120] {strides = array<i32>} : memref<3072xf32, #tpu.memory_space<vmem>>, vector<16xf32>,
      %get3A_122 = vector.shape_cast %get3A_121 : vector<16xf32> to vector<16xf32>
      %ne3A_123 = arith.constant 0.000000e+00 : f32
      %ne3A_124 = vector.broadcast %ne3A_123 : f32 to vector<16xf32>
      %ne3A_125 = arith.cmpf one, %get3A_122, %ne3A_124 : vector<16xf32>
      %mul3A_126 = arith.constant 16 : i32
      %mul3A_127 = arith.muli %scan3A_115, %mul3A_126 : i32
      %get3A_128 = arith.index_cast %mul3A_127 : i32 to index
      %get3A_129 = tpu.vector_load %arg4[%get3A_128] {strides = array<i32>} : memref<3072xf32, #tpu.memory_space<vmem>>, vector<16xf32>,
      %get3A_130 = vector.shape_cast %get3A_129 : vector<16xf32> to vector<16xf32>
      %select_n3A_131 = arith.select %ne3A_125, %get3A_130, %broadcast_in_dim3A_0 : vector<16xi1>, vector<16xf32>
      %add3A_132 = arith.addf %add3A_102, %select_n3A_131 : vector<16xf32>
      %mul3A_133 = arith.constant 16 : i32
      %mul3A_134 = arith.muli %scan3A_115, %mul3A_133 : i32
      %add3A_135 = arith.constant 1024 : i32
      %add3A_136 = arith.addi %add3A_135, %mul3A_134 : i32
      %get3A_137 = arith.index_cast %add3A_136 : i32 to index
      %get3A_138 = tpu.vector_load %arg4[%get3A_137] {strides = array<i32>} : memref<3072xf32, #tpu.memory_space<vmem>>, vector<16xf32>,
      %get3A_139 = vector.shape_cast %get3A_138 : vector<16xf32> to vector<16xf32>
      %select_n3A_140 = arith.select %ne3A_125, %get3A_139, %broadcast_in_dim3A_0 : vector<16xi1>, vector<16xf32>
      %add3A_141 = arith.addf %add3A_111, %select_n3A_140 : vector<16xf32>
      %select_n3A_142 = arith.select %ne3A_125, %broadcast_in_dim3A_2, %broadcast_in_dim3A_0 : vector<16xi1>, vector<16xf32>
      %add3A_143 = arith.addf %add3A_113, %select_n3A_142 : vector<16xf32>
      scf.yield %add3A_132, %add3A_141, %add3A_143 : vector<16xf32>, vector<16xf32>, vector<16xf32>
    }
    %scan3A_10 = arith.constant 64 : i32
    %swap3A = arith.constant 0 : index
    %swap3A_11 = tpu.vector_load %arg5[%swap3A] {strides = array<i32>} : memref<64xf32, #tpu.memory_space<vmem>>, vector<16xf32>,
    %swap3A_12 = vector.shape_cast %swap3A_11 : vector<16xf32> to vector<16xf32>
    %swap3A_13 = vector.shape_cast %scan3A_9#0 : vector<16xf32> to vector<16xf32>
    tpu.vector_store %arg5[%swap3A], %swap3A_13 {strides = array<i32>} : memref<64xf32, #tpu.memory_space<vmem>>, vector<16xf32>,
    %swap3A_14 = arith.constant 16 : index
    %swap3A_15 = tpu.vector_load %arg5[%swap3A_14] {strides = array<i32>} : memref<64xf32, #tpu.memory_space<vmem>>, vector<16xf32>,
    %swap3A_16 = vector.shape_cast %swap3A_15 : vector<16xf32> to vector<16xf32>
    %swap3A_17 = vector.shape_cast %scan3A_9#1 : vector<16xf32> to vector<16xf32>
    tpu.vector_store %arg5[%swap3A_14], %swap3A_17 {strides = array<i32>} : memref<64xf32, #tpu.memory_space<vmem>>, vector<16xf32>,
    %swap3A_18 = arith.constant 32 : index
    %swap3A_19 = tpu.vector_load %arg5[%swap3A_18] {strides = array<i32>} : memref<64xf32, #tpu.memory_space<vmem>>, vector<16xf32>,
    %swap3A_20 = vector.shape_cast %swap3A_19 : vector<16xf32> to vector<16xf32>
    %swap3A_21 = vector.shape_cast %scan3A_9#2 : vector<16xf32> to vector<16xf32>
    tpu.vector_store %arg5[%swap3A_18], %swap3A_21 {strides = array<i32>} : memref<64xf32, #tpu.memory_space<vmem>>, vector<16xf32>,
    %swap3A_22 = arith.constant 48 : index
    %swap3A_23 = tpu.vector_load %arg5[%swap3A_22] {strides = array<i32>} : memref<64xf32, #tpu.memory_space<vmem>>, vector<16xf32>,
    %swap3A_24 = vector.shape_cast %swap3A_23 : vector<16xf32> to vector<16xf32>
    %swap3A_25 = vector.shape_cast %broadcast_in_dim3A_0 : vector<16xf32> to vector<16xf32>
    tpu.vector_store %arg5[%swap3A_22], %swap3A_25 {strides = array<i32>} : memref<64xf32, #tpu.memory_space<vmem>>, vector<16xf32>,
    "tpu.region"() ({
      %run_scoped3A = tpu.sem_alloc : memref<!tpu.dma_semaphore, #tpu.memory_space<semaphore_mem>>
      %dma_start3A = arith.constant 0 : i32
      %dma_start3A_26 = tpu.memref_slice %arg3[%arg1, %dma_start3A] : memref<16x64xf32, #tpu.memory_space<hbm>> -> memref<1x64xf32, #tpu.memory_space<hbm>>
      %dma_start3A_27 = tpu.memref_squeeze %dma_start3A_26 : memref<1x64xf32, #tpu.memory_space<hbm>> -> memref<64xf32, #tpu.memory_space<hbm>>
      %dma_start3A_28 = arith.constant 0 : i32
      %dma_start3A_29 = tpu.memref_slice %arg3[%arg1, %dma_start3A_28] : memref<16x64xf32, #tpu.memory_space<hbm>> -> memref<1x64xf32, #tpu.memory_space<hbm>>
      %dma_start3A_30 = tpu.memref_squeeze %dma_start3A_29 : memref<1x64xf32, #tpu.memory_space<hbm>> -> memref<64xf32, #tpu.memory_space<hbm>>
      tpu.enqueue_dma source(%arg5 : memref<64xf32, #tpu.memory_space<vmem>>) target(%dma_start3A_30 : memref<64xf32, #tpu.memory_space<hbm>>) target_semaphore(%run_scoped3A : memref<!tpu.dma_semaphore, #tpu.memory_space<semaphore_mem>>)
      %dma_wait3A = arith.constant 0 : i32
      %dma_wait3A_31 = tpu.memref_slice %arg3[%arg1, %dma_wait3A] : memref<16x64xf32, #tpu.memory_space<hbm>> -> memref<1x64xf32, #tpu.memory_space<hbm>>
      %dma_wait3A_32 = tpu.memref_squeeze %dma_wait3A_31 : memref<1x64xf32, #tpu.memory_space<hbm>> -> memref<64xf32, #tpu.memory_space<hbm>>
      %dma_wait3A_33 = arith.constant 0 : i32
      %dma_wait3A_34 = tpu.memref_slice %arg3[%arg1, %dma_wait3A_33] : memref<16x64xf32, #tpu.memory_space<hbm>> -> memref<1x64xf32, #tpu.memory_space<hbm>>
      %dma_wait3A_35 = tpu.memref_squeeze %dma_wait3A_34 : memref<1x64xf32, #tpu.memory_space<hbm>> -> memref<64xf32, #tpu.memory_space<hbm>>
      tpu.wait_dma2 semaphore(%run_scoped3A : memref<!tpu.dma_semaphore, #tpu.memory_space<semaphore_mem>>) src(%arg5 : memref<64xf32, #tpu.memory_space<vmem>>) dst(%dma_wait3A_35 : memref<64xf32, #tpu.memory_space<hbm>>)
      tpu.yield
    }) : () -> ()
    return
  }
}

module attributes {stable_mosaic.version = 14 : i64} {
  func.func @_tc_body(%arg0: i32, %arg1: memref<1024x1024xf32, #tpu.memory_space<vmem>>, %arg2: memref<1024x1024xf32, #tpu.memory_space<vmem>>, %arg3: memref<1024x1024xf32, #tpu.memory_space<vmem>>, %arg4: memref<1x3x1024xf32, #tpu.memory_space<vmem>>) attributes {dimension_semantics = [#tpu.dimension_semantics<arbitrary>], iteration_bounds = array<i64: 16>, scalar_prefetch = 0 : i64, scratch_operands = 0 : i64, tpu.core_type = #tpu.core_type<tc>, window_params = [{transform_indices = @transform_0, window_bounds = array<i64: 1024, 1024>}, {transform_indices = @transform_1, window_bounds = array<i64: 1024, 1024>}, {transform_indices = @transform_2, window_bounds = array<i64: 1024, 1024>}, {transform_indices = @transform_3, window_bounds = array<i64: 1, 3, 1024>}]} {
    %get3A = arith.constant 0 : index
    %get3A_0 = arith.constant 0 : index
    %get3A_1 = vector.load %arg1[%get3A, %get3A_0] : memref<1024x1024xf32, #tpu.memory_space<vmem>>, vector<1024x1024xf32>
    %get3A_2 = arith.constant 0 : index
    %get3A_3 = arith.constant 0 : index
    %get3A_4 = vector.load %arg2[%get3A_2, %get3A_3] : memref<1024x1024xf32, #tpu.memory_space<vmem>>, vector<1024x1024xf32>
    %swap3A = arith.constant 0 : index
    %swap3A_5 = arith.constant 0 : index
    %swap3A_6 = vector.load %arg3[%swap3A, %swap3A_5] : memref<1024x1024xf32, #tpu.memory_space<vmem>>, vector<1024x1024xf32>
    tpu.vector_store %arg3[%swap3A, %swap3A_5], %get3A_1 {strides = array<i32>} : memref<1024x1024xf32, #tpu.memory_space<vmem>>, vector<1024x1024xf32>,
    %sub3A = arith.subf %get3A_1, %get3A_4 : vector<1024x1024xf32>
    %mul3A = arith.mulf %sub3A, %sub3A : vector<1024x1024xf32>
    %reduce_sum3A = arith.constant dense<0.000000e+00> : vector<1024xf32>
    %reduce_sum3A_7 = vector.multi_reduction <add>, %mul3A, %reduce_sum3A [1] : vector<1024x1024xf32> to vector<1024xf32>
    %swap3A_8 = arith.constant 0 : index
    %swap3A_9 = arith.constant 0 : index
    %swap3A_10 = arith.constant 0 : index
    %swap3A_11 = vector.load %arg4[%swap3A_8, %swap3A_9, %swap3A_10] : memref<1x3x1024xf32, #tpu.memory_space<vmem>>, vector<1x1x1024xf32>
    %swap3A_12 = vector.shape_cast %swap3A_11 : vector<1x1x1024xf32> to vector<1024xf32>
    %swap3A_13 = vector.shape_cast %reduce_sum3A_7 : vector<1024xf32> to vector<1x1x1024xf32>
    tpu.vector_store %arg4[%swap3A_8, %swap3A_9, %swap3A_10], %swap3A_13 {strides = array<i32>} : memref<1x3x1024xf32, #tpu.memory_space<vmem>>, vector<1x1x1024xf32>,
    %abs3A = math.absf %get3A_1 : vector<1024x1024xf32>
    %reduce_sum3A_14 = arith.constant dense<0.000000e+00> : vector<1024xf32>
    %reduce_sum3A_15 = vector.multi_reduction <add>, %abs3A, %reduce_sum3A_14 [1] : vector<1024x1024xf32> to vector<1024xf32>
    %swap3A_16 = arith.constant 0 : index
    %swap3A_17 = arith.constant 1 : index
    %swap3A_18 = arith.constant 0 : index
    %swap3A_19 = vector.load %arg4[%swap3A_16, %swap3A_17, %swap3A_18] : memref<1x3x1024xf32, #tpu.memory_space<vmem>>, vector<1x1x1024xf32>
    %swap3A_20 = vector.shape_cast %swap3A_19 : vector<1x1x1024xf32> to vector<1024xf32>
    %swap3A_21 = vector.shape_cast %reduce_sum3A_15 : vector<1024xf32> to vector<1x1x1024xf32>
    tpu.vector_store %arg4[%swap3A_16, %swap3A_17, %swap3A_18], %swap3A_21 {strides = array<i32>} : memref<1x3x1024xf32, #tpu.memory_space<vmem>>, vector<1x1x1024xf32>,
    %reduce_sum3A_22 = arith.constant dense<0.000000e+00> : vector<1024xf32>
    %reduce_sum3A_23 = vector.multi_reduction <add>, %get3A_4, %reduce_sum3A_22 [1] : vector<1024x1024xf32> to vector<1024xf32>
    %swap3A_24 = arith.constant 0 : index
    %swap3A_25 = arith.constant 2 : index
    %swap3A_26 = arith.constant 0 : index
    %swap3A_27 = vector.load %arg4[%swap3A_24, %swap3A_25, %swap3A_26] : memref<1x3x1024xf32, #tpu.memory_space<vmem>>, vector<1x1x1024xf32>
    %swap3A_28 = vector.shape_cast %swap3A_27 : vector<1x1x1024xf32> to vector<1024xf32>
    %swap3A_29 = vector.shape_cast %reduce_sum3A_23 : vector<1024xf32> to vector<1x1x1024xf32>
    tpu.vector_store %arg4[%swap3A_24, %swap3A_25, %swap3A_26], %swap3A_29 {strides = array<i32>} : memref<1x3x1024xf32, #tpu.memory_space<vmem>>, vector<1x1x1024xf32>,
    return
  }
  func.func @transform_0(%arg0: i32) -> (i32, i32) {
    %c0_i32 = arith.constant 0 : i32
    %c0_i32_0 = arith.constant 0 : i32
    return %arg0, %c0_i32 : i32, i32
  }
  func.func @transform_1(%arg0: i32) -> (i32, i32) {
    %c0_i32 = arith.constant 0 : i32
    %c0_i32_0 = arith.constant 0 : i32
    return %arg0, %c0_i32 : i32, i32
  }
  func.func @transform_2(%arg0: i32) -> (i32, i32) {
    %c0_i32 = arith.constant 0 : i32
    %c0_i32_0 = arith.constant 0 : i32
    return %arg0, %c0_i32 : i32, i32
  }
  func.func @transform_3(%arg0: i32) -> (i32, i32, i32) {
    %c0_i32 = arith.constant 0 : i32
    %c0_i32_0 = arith.constant 0 : i32
    %c0_i32_1 = arith.constant 0 : i32
    return %arg0, %c0_i32, %c0_i32_0 : i32, i32, i32
  }
}

</mosaic_0001>

<sc_bundles>
// kernel: kernel.4.cloned.1.call-start
scs
__scs_entry_jumppad:
0x0: {  	(pc) =	sbr.rel $0x88, $3  }
0x1: {  	(tag) =	ssettag $0x0;
	lr =	simm.s32 $0x1  }
0x2: {  	[smem:$0x3F9F] =	sst lr;
	_ =	strace $0xD0000000  }
0x3: {  	_ = 	snop  }
0x4: {  	_ = 	snop  }
0x5: {  	_ = 	snop  }
0x6: {  	_ = 	snop  }
0x7: {  	_ = 	snop  }
__scs_overlays_trampoline_lowered:
0x8: {  	[smem:$0x3FAE] =	sst s0  }
0x9: {  	[smem:$0x3FAF] =	sst s1  }
0xa: {  	[smem:$0x3FB0] =	sst s2  }
0xb: {  	[smem:$0x3FB1] =	sst s3  }
0xc: {  	[smem:$0x3FB2] =	sst s4  }
0xd: {  	[smem:$0x3FB3] =	sst s5  }
0xe: {  	[smem:$0x3FB4] =	sst s6  }
0xf: {  	[smem:$0x3FB5] =	sst s7  }
0x10: {  	[smem:$0x3FB6] =	sst s8  }
0x11: {  	[smem:$0x3FB7] =	sst s9;
	s0 =	simm.s32 @!p0 $0x0  }
0x12: {  	s1 =	sld [smem:$0x3F9D];
	s0 =	simm.s32 @p0 $0x1  }
0x13: {  	[smem:$0x3FB8] =	sst s0;
	s0 =	simm.s32 @!p1 $0x0  }
0x14: {  	s2 =	sld [smem:$0x3F9C];
	s0 =	simm.s32 @p1 $0x1  }
0x15: {  	[smem:$0x3FB9] =	sst s0;
	s0 =	simm.s32 @!p2 $0x0  }
0x16: {  	s3 =	sld [smem:$0x3FDB];
	s0 =	simm.s32 @p2 $0x1  }
0x17: {  	s4 =	simm.s32 $0x1BF5;
	[smem:$0x3FBB] =	sst s0  }
0x18: {  	s0 =	sld [smem:$0x3F9E];
	_ =	swait.ge [sflag:s4], $0x0  }
0x19: {  	s7 =	sld [smem:$0x3F9F]  }
0x1a: {  	s8 =	sadd.s32 $0xFFFFE003, lr  }
0x1b: {  	s9 =	sadd.s32 $0xFFFFFEF7, lr;
	s5 =	simm.s32 $0xFFFFFFFF;
	p2 =	slt.u32 s8, $0xFFFFF086  }
0x1c: {  	p1 =	slt.u32 s9, $0xF7A;
	s5 =	simm.s32 @!p2 $0x0  }
0x1d: {  	s5 =	simm.s32 @p1 $0x1;
	p0 =	seq.s32 s7, s2  }
0x1e: {  	s7 =	smul.u32 @!p0 $0xF7A, s2;
	p2 =	seq.s32 @!p0 s5, $0x0  }
0x1f: {  	s9 =	smul.u32 $0xF7A, s1;
	s8 =	simm.s32 @!p0 $0x1BF5;
	p2 =	por !p2, p0  }
0x20: {  	[sflag:s8] =	ssyncset.s32 @!p0 $0xFFFFF086;
	s6 =	sadd.s32 @!p0 s3, s7;
	s7 =	simm.s32 @!p0 $0x108  }
0x21: {  	s3 =	sadd.s32 s3, s9;
	s6 =	sadd.s32 @!p0 $0x88, s6;
	s7 =	simm.s32 @p2 $0x1082  }
0x22: {  	[simem:s7], [sflag:s8] =	dma.local @!p0 [hbm:s6], $0xF7A  }
0x23: {  	s9 =	sor.u32 $0xD0000000, s2;
	s6 =	simm.s32 $0x108;
	_ =	swait.ge @!p0 [sflag:s8], $0x0  }
0x24: {  	s3 =	sadd.s32 $0x88, s3;
	s6 =	simm.s32 @!p1 $0x1082;
	[sflag:s4] =	ssyncset.s32 $0xFFFFF086  }
0x25: {  	[simem:s6], [sflag:s4] =	dma.local [hbm:s3], $0xF7A  }
0x26: {  	[smem:$0x3F9F] =	sst s1;
	(tag) =	ssettag s2;
	_ =	strace s9  }
0x27: {  	s1 =	sld [smem:$0x3FAF]  }
0x28: {  	s2 =	sld [smem:$0x3FB0]  }
0x29: {  	s4 =	sld [smem:$0x3FB2]  }
0x2a: {  	p0 =	seq.s32 s5, $0x0;
	s5 =	sld [smem:$0x3FB3]  }
0x2b: {  	s6 =	sld [smem:$0x3FB4]  }
0x2c: {  	s7 =	sld [smem:$0x3FB5]  }
0x2d: {  	s3 =	simm.s32 $0x108;
	s8 =	sld [smem:$0x3FB6]  }
0x2e: {  	s3 =	simm.s32 @!p0 $0x1082;
	s9 =	sld [smem:$0x3FB7]  }
0x2f: {  	lr =	sadd.s32 s0, s3;
	s0 =	sld [smem:$0x3FAE]  }
0x30: {  	s3 =	sld [smem:$0x3FB1]  }
0x31: {  	[smem:$0x3FBA] =	sst s10  }
0x32: {  	s10 =	sld [smem:$0x3FB8];
	_ =	sdelay $0x3  }
0x33: {  	p0 =	seq.s32 s10, $0x1;
	s10 =	sld [smem:$0x3FBA];
	_ =	sdelay $0x3  }
0x34: {  	[smem:$0x3FBA] =	sst s10  }
0x35: {  	s10 =	sld [smem:$0x3FB9];
	_ =	sdelay $0x3  }
0x36: {  	p1 =	seq.s32 s10, $0x1;
	s10 =	sld [smem:$0x3FBA];
	_ =	sdelay $0x3  }
0x37: {  	[smem:$0x3FBA] =	sst s10  }
0x38: {  	s10 =	sld [smem:$0x3FBB]  }
0x39: {  	_ = 	snop;
	(pc) =	sbr.ind lr, $3  }
0x3a: {  	_ = 	snop  }
0x3b: {  	_ = 	snop  }
0x3c: {  	p2 =	seq.s32 s10, $0x1;
	s10 =	sld [smem:$0x3FBA]  }
0x3d: {  	_ =	shalt  }
0x3e: {  	_ =	shalt  }
0x3f: {  	_ =	shalt  }
0x40: {  	_ =	shalt  }
0x41: {  	_ =	shalt  }
0x42: {  	_ =	shalt  }
0x43: {  	_ =	shalt  }
0x44: {  	_ =	shalt  }
0x45: {  	_ =	shalt  }
0x46: {  	_ =	shalt  }
0x47: {  	_ =	shalt  }
0x48: {  	_ =	shalt  }
0x49: {  	_ =	shalt  }
0x4a: {  	_ =	shalt  }
0x4b: {  	_ =	shalt  }
0x4c: {  	_ =	shalt  }
0x4d: {  	_ =	shalt  }
0x4e: {  	_ =	shalt  }
0x4f: {  	_ =	shalt  }
0x50: {  	_ =	shalt  }
0x51: {  	_ =	shalt  }
0x52: {  	_ =	shalt  }
0x53: {  	_ =	shalt  }
0x54: {  	_ =	shalt  }
0x55: {  	_ =	shalt  }
0x56: {  	_ =	shalt  }
0x57: {  	_ =	shalt  }
0x58: {  	_ =	shalt  }
0x59: {  	_ =	shalt  }
0x5a: {  	_ =	shalt  }
0x5b: {  	_ =	shalt  }
0x5c: {  	_ =	shalt  }
0x5d: {  	_ =	shalt  }
0x5e: {  	_ =	shalt  }
0x5f: {  	_ =	shalt  }
0x60: {  	_ =	shalt  }
0x61: {  	_ =	shalt  }
0x62: {  	_ =	shalt  }
0x63: {  	_ =	shalt  }
0x64: {  	_ =	shalt  }
0x65: {  	_ =	shalt  }
0x66: {  	_ =	shalt  }
0x67: {  	_ =	shalt  }
0x68: {  	_ =	shalt  }
0x69: {  	_ =	shalt  }
0x6a: {  	_ =	shalt  }
0x6b: {  	_ =	shalt  }
0x6c: {  	_ =	shalt  }
0x6d: {  	_ =	shalt  }
0x6e: {  	_ =	shalt  }
0x6f: {  	_ =	shalt  }
0x70: {  	_ =	shalt  }
0x71: {  	_ =	shalt  }
0x72: {  	_ =	shalt  }
0x73: {  	_ =	shalt  }
0x74: {  	_ =	shalt  }
0x75: {  	_ =	shalt  }
0x76: {  	_ =	shalt  }
0x77: {  	_ =	shalt  }
0x78: {  	_ =	shalt  }
0x79: {  	_ =	shalt  }
0x7a: {  	_ =	shalt  }
0x7b: {  	_ =	shalt  }
0x7c: {  	_ =	shalt  }
0x7d: {  	_ =	shalt  }
0x7e: {  	_ =	shalt  }
0x7f: {  	_ =	shalt  }
0x80: {  	_ =	shalt  }
0x81: {  	_ =	shalt  }
0x82: {  	_ =	shalt  }
0x83: {  	_ =	shalt  }
0x84: {  	_ =	shalt  }
0x85: {  	_ =	shalt  }
0x86: {  	_ =	shalt  }
0x87: {  	_ =	shalt  }
.Lfunc_end0:
.L_simem_size_0:
called_computation_lowered:
.L_overlay_start_0:
0x88: {  	s0 =	sld [smem:$0x3FD9]  }
0x89: {  	s1 =	sld [smem:$0x3FFE];
	_ =	sdelay $0x3  }
0x8a: {  	s0 =	sadd.s32 s1, s0  }
0x8b: {  	[smem:$0x3FC6] =	sst s0  }
0x8c: {  	_ = 	snop  }
0x8d: {  	(tm) =	ssettm $0x1  }
0x8e: {  	s15 =	sld [smem:$0x3FFB];
	_ =	sdelay $0x3  }
0x8f: {  	_ =	strace s15  }
0x90: {  	s0 =	sld [smem:$0x3FFC];
	_ =	sdelay $0x3  }
0x91: {  	_ =	strace s0  }
0x92: {  	s0 =	sld [smem:$0x3FFD];
	_ =	sdelay $0x3  }
0x93: {  	_ =	strace s0  }
0x94: {  	_ =	strace $0x8FFFFFFF  }
0x95: {  	s16 =	sld [smem:$0x3FDB];
	_ =	sdelay $0x1  }
0x96: {  	s17 =	simm.s32 $_scs_section_size  }
0x97: {  	s2 =	simm.s32 $_size__tile_overlayer_lowered;
	s3 =	simm.s32 $_tile_overlayer_lowered  }
0x98: {  	s20 =	simm.s32 $0x1BFF;
	s19 =	sshll.u32 s3, $0x1;
	s0 =	sadd.s32 s17, s16  }
0x99: {  	s4 =	simm.s32 $0x0;
	s18 =	sshll.u32 s2, $0x1;
	s2 =	sadd.s32 s19, s0  }
0x9a: {  	[timem:s4], [sflag:s20] =	dma.local [hbm:s2], s18  }
0x9b: {  	_ =	swait.ge [sflag:s20], s18  }
0x9c: {  	s1 =	ssub.s32 $0x0, s18;
	[sflag:s20] =	ssyncset.done $0x0  }
0x9d: {  	[sflag:s20] =	ssyncadd.s32 s1;
	_ =	sdelay $0x1  }
0x9e: {  	s21 =	simm.s32 $0x1B8B  }
0x9f: {  	_ =	swait.ge [sflag:s21], $0x1  }
0xa0: {  	[sflag:s21] =	ssyncset.done $0x0  }
0xa1: {  	s23 =	simm.s32 $0x1B8E;
	s22 =	sld [smem:$0x3FFE];
	[sflag:s21] =	ssyncadd.s32 $0xFFFFFFFF  }
0xa2: {  	s24 =	simm.s32 $execute0_lowered;
	[smem:$0x3FD2] =	sst s23  }
0xa3: {  	s2 =	sshll.u32 s24, $0x1;
	_ =	strace $0x80000046;
	[dreg:$0x1] =	wrdreg $0xFFFFFFFF  }
0xa4: {  	s25 =	simm.s32 $_size_execute0_lowered;
	s0 =	sadd.s32 s0, s2;
	[dreg:$0x0] =	wrdreg $0x0  }
0xa5: {  	s2 =	sshll.u32 s25, $0x1;
	[dreg:$0x2] =	wrdreg s0  }
0xa6: {  	[dreg:$0x3] =	wrdreg s2  }
0xa7: {  	[dreg:$0x4] =	wrdreg $0xC0  }
0xa8: {  	_ =	task [dreg:s4], $0x5FFFF  }
0xa9: {  	[dreg:$0x1] =	wrdreg $0xFFFFFFFF  }
0xaa: {  	[dreg:$0x0] =	wrdreg $0x60  }
0xab: {  	[dreg:$0x2] =	wrdreg s22  }
0xac: {  	[dreg:$0x3] =	wrdreg $0x9  }
0xad: {  	_ =	task.clear_ibuf [dreg:s4], $0x4FFFF;
	_ =	strace $0x90000046  }
0xae: {  	s26 =	simm.s32 $0x9;
	_ =	strace $0x80000048  }
0xaf: {  	_ =	swait.ge [sflag:s26], $0x1  }
0xb0: {  	[sflag:s26] =	ssyncadd.s32 $0xFFFFFFFF  }
0xb1: {  	_ =	strace $0x90000048  }
0xb2: {  	_ =	sfence  }
0xb3: {  	s28 =	sld [smem:$0x0];
	_ =	sdelay $0x1  }
0xb4: {  	s29 =	srdreg.scid  }
0xb5: {  	s30 =	sshll.u32 s29, $0xD;
	s31 =	sshrl.u32 s29, $0x2  }
0xb6: {  	s1 =	sand.u32 $0x1, s29;
	s2 =	sand.u32 $0x4000, s30;
	s0 =	sadd.s32 s31, s28  }
0xb7: {  	s1 =	sor.u32 s2, s1;
	s0 =	sshll.u32 s0, $0x11  }
0xb8: {  	s0 =	sor.u32 s0, s1  }
0xb9: {  	s0 =	sadd.s32 $0x8F2B, s0  }
0xba: {  	[sflag:s0] =	ssyncadd.remote.s32 $0x1  }
0xbb: {  	_ =	sfence.sel $0xFFFF  }
0xbc: {  	[dreg:$0x0] =	wrdreg $0xFFFFFFFF;
	(pc) =	sbr.abs _section_cstart, $3  }
0xbd: {  	[dreg:$0x1] =	wrdreg $0xFFFFFFFF  }
0xbe: {  	_ =	task.clear_ibuf [dreg:s4], $0x2FFFF;
	_ =	strace $0x9FFFFFFF  }
0xbf: {  	(tm) =	ssettm $0x7FFFFFFF  }
tec
execute0_lowered:
.L_overlay_start_1:
0x0: {  	(tag) =	ssettag $0x1  }
0x1: {  	s3 =	rddreg [dreg:$0x0];
	s1 =	stileid.u32  }
0x2: {  	s0 =	rddreg [dreg:$0x1];
	s2 =	simm.s32 $0x0;
	s4 =	smul.u32 $0x180, s1  }
0x3: {  	[smem:$0x7FF] =	sst s2  }
0x4: {  	s30 =	simm.s32 $0x1;
	_ =	strace $0x80000047;
	s4 =	sadd.s32 s3, s4  }
0x5: {  	[tilespmem:s2], [sflag:$0x1] =	stream.linear.gather [hbm4b:s4+s2], $0xC00, $0x38;
	[tilespmem:$0xC80] =	vst v63  }
0x6: {  	_ =	swait.ge [sflag:s30], $0xC00  }
0x7: {  	[sflag:s30] =	ssyncset.done $0x0  }
0x8: {  	s5 =	simm.s32 $0x420;
	[sflag:s30] =	ssyncadd.s32 $0xFFFFF400  }
0x9: {  	v2 =	vld [tilespmem:s5+$0x410]  }
0xa: {  	s31 =	sand.u32 $0x3C0, s2;
	v3 =	vld [tilespmem:s5+$0x400]  }
0xb: {  	v4 =	vld [tilespmem:s31+$0x800]  }
0xc: {  	v5 =	vld [tilespmem:s5+$0x3F0]  }
0xd: {  	v7 =	vld [tilespmem:s5+$0xFFFFFBE0]  }
0xe: {  	v0 =	vimm.f32 $0.0e+00;
	v8 =	vld [tilespmem:s31+$0x400]  }
0xf: {  	v1 =	vld [tilespmem:s5+$0xFFFFFC10];
	vm0 =	vlt.f32 v2, $0.0e+00;
	vm1 =	vlt.f32 v3, $0.0e+00;
	vm3 =	vgt.f32 v3, $0.0e+00  }
0x10: {  	v3 =	vld [tilespmem:s5+$0xFFFFFBF0];
	vm2 =	vgt.f32 v2, $0.0e+00;
	vm4 =	vlt.f32 v4, $0.0e+00;
	vm5 =	vgt.f32 v4, $0.0e+00  }
0x11: {  	v6 =	vld [tilespmem:s5+$0xFFFFFFF0];
	vm6 =	vlt.f32 v5, $0.0e+00;
	vm15 =	vgt.f32 v5, $0.0e+00;
	vm4 =	vmor vm5, vm4  }
0x12: {  	v4 =	vld [tilespmem:s5+$0xFFFFFC00];
	vm0 =	vmor vm2, vm0;
	vm2 =	vmor vm15, vm6;
	vm1 =	vmor vm3, vm1  }
0x13: {  	v5 =	vld [tilespmem:s5+$0x0];
	v2 =	vnsel vm4, $0x0, v7;
	v10 =	vnsel vm4, $0x0, v8;
	v11 =	vsel vm4, $0x3F800000, v0  }
0x14: {  	s3 =	sadd.s32 $0x1800, s3;
	s4 =	simm.s32 $0x0;
	v8 =	vimm.f32 $0.0e+00;
	v7 =	vimm.f32 $0.0e+00;
	v9 =	vadd.f32 v2, v0;
	v2 =	vld [tilespmem:s5+$0x10];
	s5 =	simm.s32 $0x460  }
.LBB2_1:
0x15: {  	v12 =	vld [tilespmem:s5+$0x410];
	v8 =	vadd.f32 v10, v8;
	v7 =	vadd.f32 v11, v7;
	v3 =	vnsel vm2, $0x0, v3  }
0x16: {  	s2 =	sadd.s32 $0x40, s2;
	v10 =	vld [tilespmem:s5+$0x400];
	v3 =	vadd.f32 v3, v9;
	v6 =	vnsel vm2, $0x0, v6;
	v9 =	vsel vm2, $0x3F800000, v0  }
0x17: {  	s6 =	sand.u32 $0x3C0, s2;
	v11 =	vld [tilespmem:s5+$0x3F0];
	v6 =	vadd.f32 v6, v8;
	v7 =	vadd.f32 v9, v7;
	v4 =	vnsel vm1, $0x0, v4  }
0x18: {  	s4 =	sadd.s32 $0x4, s4;
	v9 =	vld [tilespmem:s6+$0x800];
	v3 =	vadd.f32 v4, v3;
	v4 =	vnsel vm1, $0x0, v5;
	v5 =	vsel vm1, $0x3F800000, v0  }
0x19: {  	p0 =	slt.u32 s4, $0x3C;
	v4 =	vadd.f32 v4, v6;
	v5 =	vadd.f32 v5, v7;
	v6 =	vnsel vm0, $0x0, v1;
	v1 =	vld [tilespmem:s5+$0xFFFFFC10]  }
0x1a: {  	v2 =	vnsel vm0, $0x0, v2;
	v13 =	vld [tilespmem:s5+$0xFFFFFBE0];
	v14 =	vadd.f32 v6, v3;
	v3 =	vsel vm0, $0x3F800000, v0  }
0x1b: {  	vm0 =	vlt.f32 v12, $0.0e+00;
	v15 =	vld [tilespmem:s6+$0x400];
	v8 =	vadd.f32 v2, v4;
	v7 =	vadd.f32 v3, v5  }
.Ltmp0:
0x1c: {  	vm2 =	vgt.f32 v12, $0.0e+00;
	vm1 =	vlt.f32 v10, $0.0e+00;
	vm3 =	vgt.f32 v10, $0.0e+00;
	v3 =	vld [tilespmem:s5+$0xFFFFFBF0];
	(pc) =	sbr.rel @p0 .LBB2_1-.Ltmp0, $4  }
0x1d: {  	vm6 =	vlt.f32 v11, $0.0e+00;
	vm4 =	vlt.f32 v9, $0.0e+00;
	vm5 =	vgt.f32 v9, $0.0e+00;
	v6 =	vld [tilespmem:s5+$0xFFFFFFF0]  }
0x1e: {  	vm0 =	vmor vm2, vm0;
	vm4 =	vmor vm5, vm4;
	vm5 =	vgt.f32 v11, $0.0e+00;
	v4 =	vld [tilespmem:s5+$0xFFFFFC00]  }
0x1f: {  	vm1 =	vmor vm3, vm1;
	v2 =	vnsel vm4, $0x0, v13;
	vm2 =	vmor vm5, vm6;
	v5 =	vld [tilespmem:s5+$0x0]  }
0x20: {  	v11 =	vsel vm4, $0x3F800000, v0;
	v9 =	vadd.f32 v2, v14;
	v10 =	vnsel vm4, $0x0, v15;
	v2 =	vld [tilespmem:s5+$0x10];
	s5 =	sadd.s32 $0x40, s5  }
0x21: {  	v8 =	vadd.f32 v10, v8;
	v3 =	vnsel vm2, $0x0, v3;
	v7 =	vadd.f32 v11, v7  }
0x22: {  	v59 =	vsel vm2, $0x3F800000, v0;
	v3 =	vadd.f32 v3, v9;
	v6 =	vnsel vm2, $0x0, v6  }
0x23: {  	v61 =	vsel vm1, $0x3F800000, v0;
	v6 =	vadd.f32 v6, v8;
	v4 =	vnsel vm1, $0x0, v4  }
0x24: {  	v7 =	vadd.f32 v59, v7;
	v3 =	vadd.f32 v4, v3;
	v60 =	vnsel vm1, $0x0, v5  }
0x25: {  	v1 =	vnsel vm0, $0x0, v1;
	v63 =	vimm.f32 $0.0e+00;
	v4 =	vadd.f32 v60, v6  }
0x26: {  	v5 =	vadd.f32 v61, v7;
	v2 =	vnsel vm0, $0x0, v2;
	v1 =	vadd.f32 v1, v3  }
0x27: {  	v62 =	vsel vm0, $0x3F800000, v0;
	[tilespmem:$0xC30] =	vst v63;
	v2 =	vadd.f32 v2, v4  }
0x28: {  	v0 =	vadd.f32 v62, v5;
	[tilespmem:$0xC00] =	vst v1  }
0x29: {  	s2 =	sshll.u32 s1, $0x4;
	s30 =	simm.s32 $0x0;
	[tilespmem:$0xC10] =	vst v2  }
0x2a: {  	s4 =	simm.s32 $0xC00;
	s31 =	simm.s32 $0x1;
	s2 =	sadd.s32 s3, s2;
	[tilespmem:$0xC20] =	vst v0  }
0x2b: {  	[hbm4b:s2+s30] =	stream.linear.scatter [tilespmem:s4], [sflag:$0x1], $0x80, $0x38;
	[tilespmem:$0xC80] =	vst v63  }
0x2c: {  	_ =	swait.ge [sflag:s31], $0x80  }
0x2d: {  	[sflag:s31] =	ssyncset.done $0x0  }
0x2e: {  	[sflag:s31] =	ssyncadd.s32 $0xFFFFFF80  }
0x2f: {  	_ =	sfence.sel $0x180000  }
0x30: {  	[bflag:$0x0] =	sbarrier.arrive $0xFFFF  }
0x31: {  	p0 =	sne.s32 s1, $0x0;
	_ =	strace $0x90000047  }
0x32: {  	s0 =	sadd.s32 @!p0 $0x100000, s0;
	[bflag:$0x2] =	sbarrier.arrive $0xFFFF  }
0x33: {  	[sflag:s0] =	ssyncadd.tile.s32 @!p0 $0x1;
	_ =	shalt  }
.Lfunc_end2:
_tile_overlayer_lowered:
.L_overlay_start_2:
0x34: {  	(tag) =	ssettag $0x2  }
0x35: {  	s0 =	rddreg [dreg:$0x0];
	s2 =	stileid.u32  }
0x36: {  	s1 =	rddreg [dreg:$0x1];
	p0 =	sne.s32 s2, $0x0  }
0x37: {  	s3 =	rddreg [dreg:$0x2];
	[bflag:$0x3] =	sbarrier.arrive $0xFFFF;
	s2 =	simm.s32 @!p0 $0x1C01  }
0x38: {  	[timem:s3], [sflag:s2] =	dma.local @!p0 [hbm:s0], s1  }
0x39: {  	s0 =	simm.s32 @!p0 $0x1  }
0x3a: {  	_ =	swait.ge @!p0 [sflag:s0], s1  }
0x3b: {  	s1 =	ssub.s32 @!p0 $0x0, s1;
	[sflag:s0] =	ssyncset.done @!p0 $0x0  }
0x3c: {  	[sflag:s0] =	ssyncadd.s32 @!p0 s1  }
0x3d: {  	[bflag:$0x3] =	sbarrier.arrive $0xFFFF  }
0x3e: {  	_ =	shalt  }

</sc_bundles>
